<compile_context>
chip_gen: v7x
topology: tpu7x:2x2x1
jax: 0.10.2.dev20260603
libtpu: 0.0.44.dev20260713+nightly
codegen_flags: <defaults>
</compile_context>

<pallas_src>
import functools

import jax
import jax.numpy as jnp
from jax import lax
from jax.experimental import pallas as pl
from jax.experimental.pallas import tpu as pltpu
from jax.experimental.pallas import tpu_sc as plsc

B = 1024
D_IN = 128
K = 16384
M = 32768
M_OUT = 64

_NC = 2
_NS = 16
_NW = _NC * _NS
_CHUNK = 128
_CHUNKS_PER_W = K // (_NW * _CHUNK)


def _sc_gather_body(u_hbm, idx_hbm, o_hbm, idx_v, rows_v, sem, wsem):
    wid = lax.axis_index("s") * _NC + lax.axis_index("c")
    base = wid * _CHUNKS_PER_W
    pltpu.sync_copy(idx_hbm.at[pl.ds(base, _CHUNKS_PER_W)], idx_v)
    gathers = [pltpu.async_copy(u_hbm.at[idx_v.at[j]], rows_v.at[j], sem)
               for j in range(_CHUNKS_PER_W)]
    writes = []
    for j in range(_CHUNKS_PER_W):
        gathers[j].wait()
        writes.append(pltpu.async_copy(rows_v.at[j], o_hbm.at[base + j], wsem))
    for w in writes:
        w.wait()


def _sc_gather(u_cat, idx2d):
    mesh = plsc.VectorSubcoreMesh(core_axis_name="c", subcore_axis_name="s")
    n_rows = K // _CHUNK
    run = pl.kernel(
        _sc_gather_body,
        mesh=mesh,
        out_type=jax.ShapeDtypeStruct((n_rows, _CHUNK, 2 * M_OUT), jnp.float32),
        scratch_types=[
            pltpu.VMEM((_CHUNKS_PER_W, _CHUNK), jnp.int32),
            pltpu.VMEM((_CHUNKS_PER_W, _CHUNK, 2 * M_OUT), jnp.float32),
            pltpu.SemaphoreType.DMA,
            pltpu.SemaphoreType.DMA,
        ],
    )
    return run(u_cat, idx2d)


_TK = 8192

_NT = (((1,), (1,)), ((), ()))
_NN = (((1,), (0,)), ((), ()))
_dotf = functools.partial(lax.dot_general,
                          precision=lax.Precision.DEFAULT,
                          preferred_element_type=jnp.float32)


def _tc_body(x_ref, wre_ref, wim_ref, ugcat_ref, out_ref,
             g_acc, dre_acc, dim_acc):
    i = pl.program_id(0)

    @pl.when(i == 0)
    def _init():
        g_acc[...] = jnp.zeros_like(g_acc)
        dre_acc[...] = jnp.zeros_like(dre_acc)
        dim_acc[...] = jnp.zeros_like(dim_acc)

    wre = wre_ref[...]
    wim = wim_ref[...]
    ugcat = ugcat_ref[...]
    g_acc[...] += _dotf(wre, wre, _NT)
    g_acc[...] += _dotf(wim, wim, _NT)
    dre_acc[...] += _dotf(wre, ugcat, _NN)
    dim_acc[...] += _dotf(wim, ugcat, _NN)

    @pl.when(i == pl.num_programs(0) - 1)
    def _final():
        xv = x_ref[...]
        d_re = dre_acc[...]
        d_im = dim_acc[...]
        c_re = d_re[:, :M_OUT] - d_im[:, M_OUT:]
        c_im = d_re[:, M_OUT:] + d_im[:, :M_OUT]
        t = _dotf(xv, g_acc[...], _NN)
        n2 = jnp.maximum(jnp.sum(t * xv, axis=1, keepdims=True), 0.0)
        norm = jnp.sqrt(n2) + 1e-20
        o_re = _dotf(xv, c_re, _NN)
        o_im = _dotf(xv, c_im, _NN)
        out_ref[...] = (o_re * o_re + o_im * o_im) / (norm * norm)


def _tc_fused(x, w_re, w_im, ug_cat):
    grid = K // _TK
    return pl.pallas_call(
        _tc_body,
        grid=(grid,),
        in_specs=[
            pl.BlockSpec((B, D_IN), lambda i: (0, 0)),
            pl.BlockSpec((D_IN, _TK), lambda i: (0, i)),
            pl.BlockSpec((D_IN, _TK), lambda i: (0, i)),
            pl.BlockSpec((_TK, 2 * M_OUT), lambda i: (i, 0)),
        ],
        out_specs=pl.BlockSpec((B, M_OUT), lambda i: (0, 0)),
        out_shape=jax.ShapeDtypeStruct((B, M_OUT), jnp.float32),
        scratch_shapes=[
            pltpu.VMEM((D_IN, D_IN), jnp.float32),
            pltpu.VMEM((D_IN, 2 * M_OUT), jnp.float32),
            pltpu.VMEM((D_IN, 2 * M_OUT), jnp.float32),
        ],
    )(x, w_re, w_im, ug_cat)


def kernel(x, W_re, W_im, U_re, U_im, index_map):
    idx2d = index_map.astype(jnp.int32).reshape(K // _CHUNK, _CHUNK)
    u_cat = jnp.concatenate([U_re, U_im], axis=1)
    ug = _sc_gather(u_cat, idx2d)
    ug_cat = ug.reshape(K, 2 * M_OUT)
    return _tc_fused(x, W_re, W_im, ug_cat)

# --- scband reference (transcript-rebuilt; emitter-appended) ---
"""Pipeline reference for scband-quantum-bridge-80144089744001 (READ-ONLY COPY).

The authoritative reference and input builder live on the scoring server;
editing this copy changes nothing except your own understanding.
"""

import jax, jax.numpy as jnp
import numpy as np

B = 1024
D_IN = 128
N_QUBITS = 14
K = 2 ** N_QUBITS          # statevector length
M = 32768                  # number of SLOS mapped_keys (Fock basis size, modeled)
M_OUT = 64                 # merlin layer output distribution size (modeled)


def setup_inputs(seed: int = 0) -> dict:
    key = jax.random.key(seed)
    k1, k2, k3, k4, k5 = jax.random.split(key, 5)
    x = jax.random.normal(k1, (B, D_IN), dtype=jnp.float32)
    # pl_state_fn modeled as a linear map producing a complex statevector (re/im parts)
    W_re = jax.random.normal(k2, (D_IN, K), dtype=jnp.float32) / np.sqrt(D_IN)
    W_im = jax.random.normal(k3, (D_IN, K), dtype=jnp.float32) / np.sqrt(D_IN)
    # merlin QuantumLayer modeled as a fixed complex linear readout followed by |.|^2
    U_re = jax.random.normal(k4, (M, M_OUT), dtype=jnp.float32) / np.sqrt(M)
    U_im = jax.random.normal(k5, (M, M_OUT), dtype=jnp.float32) / np.sqrt(M)
    # index_map: injective map from the 2^n computational basis into the M Fock keys
    rng = np.random.default_rng(0)
    index_map = jnp.asarray(rng.permutation(M)[:K].astype(np.int64))
    return {"x": x, "W_re": W_re, "W_im": W_im, "U_re": U_re, "U_im": U_im, "index_map": index_map}


def reference(x, W_re, W_im, U_re, U_im, index_map):
    # 1) PennyLane state provider: psi = pl_state_fn(x), complex (B, K)
    psi_re = x @ W_re
    psi_im = x @ W_im
    # 2) normalize: psi / (||psi|| + 1e-20)
    norm = jnp.sqrt(jnp.sum(psi_re * psi_re + psi_im * psi_im, axis=1, keepdims=True)) + 1e-20
    psi_re = psi_re / norm
    psi_im = psi_im / norm
    # 3) scatter amplitudes into the SLOS superposition buffer via index_map
    #    (torch: superpos.scatter_(1, idx.expand(B,-1), psi); index_map is injective)
    sp_re = jnp.zeros((B, M), dtype=jnp.float32).at[:, index_map].set(psi_re)
    sp_im = jnp.zeros((B, M), dtype=jnp.float32).at[:, index_map].set(psi_im)
    # 4) merlin layer: complex linear evolution then output probabilities
    out_re = sp_re @ U_re - sp_im @ U_im
    out_im = sp_re @ U_im + sp_im @ U_re
    probs = out_re * out_re + out_im * out_im
    return probs

if __name__ == "__main__":
    import jax
    _d = setup_inputs()
    print(jax.jit(kernel)(*tuple(_d.values())))

</pallas_src>

<mosaic_0001>
#map = affine_map<(d0, d1) -> (0, 0)>
#map1 = affine_map<(d0, d1) -> (0, 0, 0)>
module attributes {stable_mosaic.version = 14 : i64} {
  func.func @_sc_gather_body(%arg0: i32, %arg1: i32, %arg2: memref<32768x128xf32, #tpu.memory_space<hbm>>, %arg3: memref<128x128xi32, #tpu.memory_space<hbm>>, %arg4: memref<128x128x128xf32, #tpu.memory_space<hbm>>, %arg5: memref<4x128xi32, #tpu.memory_space<vmem>>, %arg6: memref<4x128x128xf32, #tpu.memory_space<vmem>>, %arg7: memref<!tpu.dma_semaphore, #tpu.memory_space<semaphore_mem>>, %arg8: memref<!tpu.dma_semaphore, #tpu.memory_space<semaphore_mem>>) attributes {dimension_semantics = [#tpu.dimension_semantics<core_parallel>, #tpu.dimension_semantics<subcore_parallel>], iteration_bounds = array<i64: 2, 16>, scalar_prefetch = 0 : i64, scratch_operands = 4 : i64, tpu.core_type = #tpu.core_type<sc_vector_subcore>, window_params = [{transform_indices = #map}, {transform_indices = #map}, {transform_indices = #map1}]} {
    %mul3A = arith.constant 2 : i32
    %mul3A_0 = arith.muli %arg1, %mul3A : i32
    %add3A = arith.addi %mul3A_0, %arg0 : i32
    %mul3A_1 = arith.constant 4 : i32
    %mul3A_2 = arith.muli %add3A, %mul3A_1 : i32
    "tpu.region"() ({
      %run_scoped3A = tpu.sem_alloc : memref<!tpu.dma_semaphore, #tpu.memory_space<semaphore_mem>>
      %dma_start3A_241 = arith.constant 0 : i32
      %dma_start3A_242 = tpu.memref_slice %arg3[%mul3A_2, %dma_start3A_241] : memref<128x128xi32, #tpu.memory_space<hbm>> -> memref<4x128xi32, #tpu.memory_space<hbm>>
      %dma_start3A_243 = arith.constant 0 : i32
      %dma_start3A_244 = tpu.memref_slice %arg3[%mul3A_2, %dma_start3A_243] : memref<128x128xi32, #tpu.memory_space<hbm>> -> memref<4x128xi32, #tpu.memory_space<hbm>>
      tpu.enqueue_dma source(%dma_start3A_244 : memref<4x128xi32, #tpu.memory_space<hbm>>) target(%arg5 : memref<4x128xi32, #tpu.memory_space<vmem>>) target_semaphore(%run_scoped3A : memref<!tpu.dma_semaphore, #tpu.memory_space<semaphore_mem>>)
      %dma_wait3A_245 = arith.constant 0 : i32
      %dma_wait3A_246 = tpu.memref_slice %arg3[%mul3A_2, %dma_wait3A_245] : memref<128x128xi32, #tpu.memory_space<hbm>> -> memref<4x128xi32, #tpu.memory_space<hbm>>
      %dma_wait3A_247 = arith.constant 0 : i32
      %dma_wait3A_248 = tpu.memref_slice %arg3[%mul3A_2, %dma_wait3A_247] : memref<128x128xi32, #tpu.memory_space<hbm>> -> memref<4x128xi32, #tpu.memory_space<hbm>>
      tpu.wait_dma2 semaphore(%run_scoped3A : memref<!tpu.dma_semaphore, #tpu.memory_space<semaphore_mem>>) src(%dma_wait3A_248 : memref<4x128xi32, #tpu.memory_space<hbm>>) dst(%arg5 : memref<4x128xi32, #tpu.memory_space<vmem>>)
      tpu.yield
    }) : () -> ()
    %dma_start3A = arith.constant 0 : i32
    %dma_start3A_3 = arith.constant 0 : i32
    %dma_start3A_4 = arith.constant 0 : i32
    %dma_start3A_5 = arith.constant 0 : i32
    %dma_start3A_6 = tpu.memref_slice %arg6[%dma_start3A_3, %dma_start3A_4, %dma_start3A_5] : memref<4x128x128xf32, #tpu.memory_space<vmem>> -> memref<1x128x128xf32, #tpu.memory_space<vmem>>
    %dma_start3A_7 = tpu.memref_squeeze %dma_start3A_6 : memref<1x128x128xf32, #tpu.memory_space<vmem>> -> memref<128x128xf32, #tpu.memory_space<vmem>>
    %dma_start3A_8 = arith.constant 0 : i32
    %dma_start3A_9 = tpu.memref_slice %arg5[%dma_start3A, %dma_start3A_8] : memref<4x128xi32, #tpu.memory_space<vmem>> -> memref<1x128xi32, #tpu.memory_space<vmem>>
    %dma_start3A_10 = tpu.memref_squeeze %dma_start3A_9 : memref<1x128xi32, #tpu.memory_space<vmem>> -> memref<128xi32, #tpu.memory_space<vmem>>
    %dma_start3A_11 = arith.constant 0 : i32
    %dma_start3A_12 = arith.constant 0 : i32
    %dma_start3A_13 = tpu.memref_slice %arg2[%dma_start3A_11, %dma_start3A_12] : memref<32768x128xf32, #tpu.memory_space<hbm>> -> memref<32768x128xf32, #tpu.memory_space<hbm>>
    tpu.enqueue_indirect_dma source(%dma_start3A_13 : memref<32768x128xf32, #tpu.memory_space<hbm>>) target(%dma_start3A_7 : memref<128x128xf32, #tpu.memory_space<vmem>>) offsets(%dma_start3A_10 : memref<128xi32, #tpu.memory_space<vmem>>) semaphore(%arg7 : memref<!tpu.dma_semaphore, #tpu.memory_space<semaphore_mem>>)
    %dma_start3A_14 = arith.constant 1 : i32
    %dma_start3A_15 = arith.constant 1 : i32
    %dma_start3A_16 = arith.constant 0 : i32
    %dma_start3A_17 = arith.constant 0 : i32
    %dma_start3A_18 = tpu.memref_slice %arg6[%dma_start3A_15, %dma_start3A_16, %dma_start3A_17] : memref<4x128x128xf32, #tpu.memory_space<vmem>> -> memref<1x128x128xf32, #tpu.memory_space<vmem>>
    %dma_start3A_19 = tpu.memref_squeeze %dma_start3A_18 : memref<1x128x128xf32, #tpu.memory_space<vmem>> -> memref<128x128xf32, #tpu.memory_space<vmem>>
    %dma_start3A_20 = arith.constant 0 : i32
    %dma_start3A_21 = tpu.memref_slice %arg5[%dma_start3A_14, %dma_start3A_20] : memref<4x128xi32, #tpu.memory_space<vmem>> -> memref<1x128xi32, #tpu.memory_space<vmem>>
    %dma_start3A_22 = tpu.memref_squeeze %dma_start3A_21 : memref<1x128xi32, #tpu.memory_space<vmem>> -> memref<128xi32, #tpu.memory_space<vmem>>
    %dma_start3A_23 = arith.constant 0 : i32
    %dma_start3A_24 = arith.constant 0 : i32
    %dma_start3A_25 = tpu.memref_slice %arg2[%dma_start3A_23, %dma_start3A_24] : memref<32768x128xf32, #tpu.memory_space<hbm>> -> memref<32768x128xf32, #tpu.memory_space<hbm>>
    tpu.enqueue_indirect_dma source(%dma_start3A_25 : memref<32768x128xf32, #tpu.memory_space<hbm>>) target(%dma_start3A_19 : memref<128x128xf32, #tpu.memory_space<vmem>>) offsets(%dma_start3A_22 : memref<128xi32, #tpu.memory_space<vmem>>) semaphore(%arg7 : memref<!tpu.dma_semaphore, #tpu.memory_space<semaphore_mem>>)
    %dma_start3A_26 = arith.constant 2 : i32
    %dma_start3A_27 = arith.constant 2 : i32
    %dma_start3A_28 = arith.constant 0 : i32
    %dma_start3A_29 = arith.constant 0 : i32
    %dma_start3A_30 = tpu.memref_slice %arg6[%dma_start3A_27, %dma_start3A_28, %dma_start3A_29] : memref<4x128x128xf32, #tpu.memory_space<vmem>> -> memref<1x128x128xf32, #tpu.memory_space<vmem>>
    %dma_start3A_31 = tpu.memref_squeeze %dma_start3A_30 : memref<1x128x128xf32, #tpu.memory_space<vmem>> -> memref<128x128xf32, #tpu.memory_space<vmem>>
    %dma_start3A_32 = arith.constant 0 : i32
    %dma_start3A_33 = tpu.memref_slice %arg5[%dma_start3A_26, %dma_start3A_32] : memref<4x128xi32, #tpu.memory_space<vmem>> -> memref<1x128xi32, #tpu.memory_space<vmem>>
    %dma_start3A_34 = tpu.memref_squeeze %dma_start3A_33 : memref<1x128xi32, #tpu.memory_space<vmem>> -> memref<128xi32, #tpu.memory_space<vmem>>
    %dma_start3A_35 = arith.constant 0 : i32
    %dma_start3A_36 = arith.constant 0 : i32
    %dma_start3A_37 = tpu.memref_slice %arg2[%dma_start3A_35, %dma_start3A_36] : memref<32768x128xf32, #tpu.memory_space<hbm>> -> memref<32768x128xf32, #tpu.memory_space<hbm>>
    tpu.enqueue_indirect_dma source(%dma_start3A_37 : memref<32768x128xf32, #tpu.memory_space<hbm>>) target(%dma_start3A_31 : memref<128x128xf32, #tpu.memory_space<vmem>>) offsets(%dma_start3A_34 : memref<128xi32, #tpu.memory_space<vmem>>) semaphore(%arg7 : memref<!tpu.dma_semaphore, #tpu.memory_space<semaphore_mem>>)
    %dma_start3A_38 = arith.constant 3 : i32
    %dma_start3A_39 = arith.constant 3 : i32
    %dma_start3A_40 = arith.constant 0 : i32
    %dma_start3A_41 = arith.constant 0 : i32
    %dma_start3A_42 = tpu.memref_slice %arg6[%dma_start3A_39, %dma_start3A_40, %dma_start3A_41] : memref<4x128x128xf32, #tpu.memory_space<vmem>> -> memref<1x128x128xf32, #tpu.memory_space<vmem>>
    %dma_start3A_43 = tpu.memref_squeeze %dma_start3A_42 : memref<1x128x128xf32, #tpu.memory_space<vmem>> -> memref<128x128xf32, #tpu.memory_space<vmem>>
    %dma_start3A_44 = arith.constant 0 : i32
    %dma_start3A_45 = tpu.memref_slice %arg5[%dma_start3A_38, %dma_start3A_44] : memref<4x128xi32, #tpu.memory_space<vmem>> -> memref<1x128xi32, #tpu.memory_space<vmem>>
    %dma_start3A_46 = tpu.memref_squeeze %dma_start3A_45 : memref<1x128xi32, #tpu.memory_space<vmem>> -> memref<128xi32, #tpu.memory_space<vmem>>
    %dma_start3A_47 = arith.constant 0 : i32
    %dma_start3A_48 = arith.constant 0 : i32
    %dma_start3A_49 = tpu.memref_slice %arg2[%dma_start3A_47, %dma_start3A_48] : memref<32768x128xf32, #tpu.memory_space<hbm>> -> memref<32768x128xf32, #tpu.memory_space<hbm>>
    tpu.enqueue_indirect_dma source(%dma_start3A_49 : memref<32768x128xf32, #tpu.memory_space<hbm>>) target(%dma_start3A_43 : memref<128x128xf32, #tpu.memory_space<vmem>>) offsets(%dma_start3A_46 : memref<128xi32, #tpu.memory_space<vmem>>) semaphore(%arg7 : memref<!tpu.dma_semaphore, #tpu.memory_space<semaphore_mem>>)
    %dma_wait3A = arith.constant 0 : i32
    %dma_wait3A_50 = arith.constant 0 : i32
    %dma_wait3A_51 = arith.constant 0 : i32
    %dma_wait3A_52 = arith.constant 0 : i32
    %dma_wait3A_53 = tpu.memref_slice %arg6[%dma_wait3A_50, %dma_wait3A_51, %dma_wait3A_52] : memref<4x128x128xf32, #tpu.memory_space<vmem>> -> memref<1x128x128xf32, #tpu.memory_space<vmem>>
    %dma_wait3A_54 = tpu.memref_squeeze %dma_wait3A_53 : memref<1x128x128xf32, #tpu.memory_space<vmem>> -> memref<128x128xf32, #tpu.memory_space<vmem>>
    %dma_wait3A_55 = arith.constant 0 : i32
    %dma_wait3A_56 = tpu.memref_slice %arg5[%dma_wait3A, %dma_wait3A_55] : memref<4x128xi32, #tpu.memory_space<vmem>> -> memref<1x128xi32, #tpu.memory_space<vmem>>
    %dma_wait3A_57 = tpu.memref_squeeze %dma_wait3A_56 : memref<1x128xi32, #tpu.memory_space<vmem>> -> memref<128xi32, #tpu.memory_space<vmem>>
    %dma_wait3A_58 = arith.constant 0 : i32
    %dma_wait3A_59 = arith.constant 0 : i32
    %dma_wait3A_60 = tpu.memref_slice %arg2[%dma_wait3A_58, %dma_wait3A_59] : memref<32768x128xf32, #tpu.memory_space<hbm>> -> memref<32768x128xf32, #tpu.memory_space<hbm>>
    tpu.wait_indirect_dma semaphore(%arg7 : memref<!tpu.dma_semaphore, #tpu.memory_space<semaphore_mem>>) src(%dma_wait3A_60 : memref<32768x128xf32, #tpu.memory_space<hbm>>) dst(%dma_wait3A_54 : memref<128x128xf32, #tpu.memory_space<vmem>>)
    %add3A_61 = arith.constant 0 : i32
    %add3A_62 = arith.addi %mul3A_2, %add3A_61 : i32
    %dma_start3A_63 = arith.constant 0 : i32
    %dma_start3A_64 = arith.constant 0 : i32
    %dma_start3A_65 = arith.constant 0 : i32
    %dma_start3A_66 = tpu.memref_slice %arg6[%dma_start3A_63, %dma_start3A_64, %dma_start3A_65] : memref<4x128x128xf32, #tpu.memory_space<vmem>> -> memref<1x128x128xf32, #tpu.memory_space<vmem>>
    %dma_start3A_67 = tpu.memref_squeeze %dma_start3A_66 : memref<1x128x128xf32, #tpu.memory_space<vmem>> -> memref<128x128xf32, #tpu.memory_space<vmem>>
    %dma_start3A_68 = arith.constant 0 : i32
    %dma_start3A_69 = arith.constant 0 : i32
    %dma_start3A_70 = tpu.memref_slice %arg4[%add3A_62, %dma_start3A_68, %dma_start3A_69] : memref<128x128x128xf32, #tpu.memory_space<hbm>> -> memref<1x128x128xf32, #tpu.memory_space<hbm>>
    %dma_start3A_71 = tpu.memref_squeeze %dma_start3A_70 : memref<1x128x128xf32, #tpu.memory_space<hbm>> -> memref<128x128xf32, #tpu.memory_space<hbm>>
    %dma_start3A_72 = arith.constant 0 : i32
    %dma_start3A_73 = arith.constant 0 : i32
    %dma_start3A_74 = tpu.memref_slice %arg4[%add3A_62, %dma_start3A_72, %dma_start3A_73] : memref<128x128x128xf32, #tpu.memory_space<hbm>> -> memref<1x128x128xf32, #tpu.memory_space<hbm>>
    %dma_start3A_75 = tpu.memref_squeeze %dma_start3A_74 : memref<1x128x128xf32, #tpu.memory_space<hbm>> -> memref<128x128xf32, #tpu.memory_space<hbm>>
    %dma_start3A_76 = arith.constant 0 : i32
    %dma_start3A_77 = arith.constant 0 : i32
    %dma_start3A_78 = tpu.memref_slice %arg6[%dma_start3A_63, %dma_start3A_76, %dma_start3A_77] : memref<4x128x128xf32, #tpu.memory_space<vmem>> -> memref<1x128x128xf32, #tpu.memory_space<vmem>>
    %dma_start3A_79 = tpu.memref_squeeze %dma_start3A_78 : memref<1x128x128xf32, #tpu.memory_space<vmem>> -> memref<128x128xf32, #tpu.memory_space<vmem>>
    tpu.enqueue_dma source(%dma_start3A_79 : memref<128x128xf32, #tpu.memory_space<vmem>>) target(%dma_start3A_75 : memref<128x128xf32, #tpu.memory_space<hbm>>) target_semaphore(%arg8 : memref<!tpu.dma_semaphore, #tpu.memory_space<semaphore_mem>>)
    %dma_wait3A_80 = arith.constant 1 : i32
    %dma_wait3A_81 = arith.constant 1 : i32
    %dma_wait3A_82 = arith.constant 0 : i32
    %dma_wait3A_83 = arith.constant 0 : i32
    %dma_wait3A_84 = tpu.memref_slice %arg6[%dma_wait3A_81, %dma_wait3A_82, %dma_wait3A_83] : memref<4x128x128xf32, #tpu.memory_space<vmem>> -> memref<1x128x128xf32, #tpu.memory_space<vmem>>
    %dma_wait3A_85 = tpu.memref_squeeze %dma_wait3A_84 : memref<1x128x128xf32, #tpu.memory_space<vmem>> -> memref<128x128xf32, #tpu.memory_space<vmem>>
    %dma_wait3A_86 = arith.constant 0 : i32
    %dma_wait3A_87 = tpu.memref_slice %arg5[%dma_wait3A_80, %dma_wait3A_86] : memref<4x128xi32, #tpu.memory_space<vmem>> -> memref<1x128xi32, #tpu.memory_space<vmem>>
    %dma_wait3A_88 = tpu.memref_squeeze %dma_wait3A_87 : memref<1x128xi32, #tpu.memory_space<vmem>> -> memref<128xi32, #tpu.memory_space<vmem>>
    %dma_wait3A_89 = arith.constant 0 : i32
    %dma_wait3A_90 = arith.constant 0 : i32
    %dma_wait3A_91 = tpu.memref_slice %arg2[%dma_wait3A_89, %dma_wait3A_90] : memref<32768x128xf32, #tpu.memory_space<hbm>> -> memref<32768x128xf32, #tpu.memory_space<hbm>>
    tpu.wait_indirect_dma semaphore(%arg7 : memref<!tpu.dma_semaphore, #tpu.memory_space<semaphore_mem>>) src(%dma_wait3A_91 : memref<32768x128xf32, #tpu.memory_space<hbm>>) dst(%dma_wait3A_85 : memref<128x128xf32, #tpu.memory_space<vmem>>)
    %add3A_92 = arith.constant 1 : i32
    %add3A_93 = arith.addi %mul3A_2, %add3A_92 : i32
    %dma_start3A_94 = arith.constant 1 : i32
    %dma_start3A_95 = arith.constant 0 : i32
    %dma_start3A_96 = arith.constant 0 : i32
    %dma_start3A_97 = tpu.memref_slice %arg6[%dma_start3A_94, %dma_start3A_95, %dma_start3A_96] : memref<4x128x128xf32, #tpu.memory_space<vmem>> -> memref<1x128x128xf32, #tpu.memory_space<vmem>>
    %dma_start3A_98 = tpu.memref_squeeze %dma_start3A_97 : memref<1x128x128xf32, #tpu.memory_space<vmem>> -> memref<128x128xf32, #tpu.memory_space<vmem>>
    %dma_start3A_99 = arith.constant 0 : i32
    %dma_start3A_100 = arith.constant 0 : i32
    %dma_start3A_101 = tpu.memref_slice %arg4[%add3A_93, %dma_start3A_99, %dma_start3A_100] : memref<128x128x128xf32, #tpu.memory_space<hbm>> -> memref<1x128x128xf32, #tpu.memory_space<hbm>>
    %dma_start3A_102 = tpu.memref_squeeze %dma_start3A_101 : memref<1x128x128xf32, #tpu.memory_space<hbm>> -> memref<128x128xf32, #tpu.memory_space<hbm>>
    %dma_start3A_103 = arith.constant 0 : i32
    %dma_start3A_104 = arith.constant 0 : i32
    %dma_start3A_105 = tpu.memref_slice %arg4[%add3A_93, %dma_start3A_103, %dma_start3A_104] : memref<128x128x128xf32, #tpu.memory_space<hbm>> -> memref<1x128x128xf32, #tpu.memory_space<hbm>>
    %dma_start3A_106 = tpu.memref_squeeze %dma_start3A_105 : memref<1x128x128xf32, #tpu.memory_space<hbm>> -> memref<128x128xf32, #tpu.memory_space<hbm>>
    %dma_start3A_107 = arith.constant 0 : i32
    %dma_start3A_108 = arith.constant 0 : i32
    %dma_start3A_109 = tpu.memref_slice %arg6[%dma_start3A_94, %dma_start3A_107, %dma_start3A_108] : memref<4x128x128xf32, #tpu.memory_space<vmem>> -> memref<1x128x128xf32, #tpu.memory_space<vmem>>
    %dma_start3A_110 = tpu.memref_squeeze %dma_start3A_109 : memref<1x128x128xf32, #tpu.memory_space<vmem>> -> memref<128x128xf32, #tpu.memory_space<vmem>>
    tpu.enqueue_dma source(%dma_start3A_110 : memref<128x128xf32, #tpu.memory_space<vmem>>) target(%dma_start3A_106 : memref<128x128xf32, #tpu.memory_space<hbm>>) target_semaphore(%arg8 : memref<!tpu.dma_semaphore, #tpu.memory_space<semaphore_mem>>)
    %dma_wait3A_111 = arith.constant 2 : i32
    %dma_wait3A_112 = arith.constant 2 : i32
    %dma_wait3A_113 = arith.constant 0 : i32
    %dma_wait3A_114 = arith.constant 0 : i32
    %dma_wait3A_115 = tpu.memref_slice %arg6[%dma_wait3A_112, %dma_wait3A_113, %dma_wait3A_114] : memref<4x128x128xf32, #tpu.memory_space<vmem>> -> memref<1x128x128xf32, #tpu.memory_space<vmem>>
    %dma_wait3A_116 = tpu.memref_squeeze %dma_wait3A_115 : memref<1x128x128xf32, #tpu.memory_space<vmem>> -> memref<128x128xf32, #tpu.memory_space<vmem>>
    %dma_wait3A_117 = arith.constant 0 : i32
    %dma_wait3A_118 = tpu.memref_slice %arg5[%dma_wait3A_111, %dma_wait3A_117] : memref<4x128xi32, #tpu.memory_space<vmem>> -> memref<1x128xi32, #tpu.memory_space<vmem>>
    %dma_wait3A_119 = tpu.memref_squeeze %dma_wait3A_118 : memref<1x128xi32, #tpu.memory_space<vmem>> -> memref<128xi32, #tpu.memory_space<vmem>>
    %dma_wait3A_120 = arith.constant 0 : i32
    %dma_wait3A_121 = arith.constant 0 : i32
    %dma_wait3A_122 = tpu.memref_slice %arg2[%dma_wait3A_120, %dma_wait3A_121] : memref<32768x128xf32, #tpu.memory_space<hbm>> -> memref<32768x128xf32, #tpu.memory_space<hbm>>
    tpu.wait_indirect_dma semaphore(%arg7 : memref<!tpu.dma_semaphore, #tpu.memory_space<semaphore_mem>>) src(%dma_wait3A_122 : memref<32768x128xf32, #tpu.memory_space<hbm>>) dst(%dma_wait3A_116 : memref<128x128xf32, #tpu.memory_space<vmem>>)
    %add3A_123 = arith.constant 2 : i32
    %add3A_124 = arith.addi %mul3A_2, %add3A_123 : i32
    %dma_start3A_125 = arith.constant 2 : i32
    %dma_start3A_126 = arith.constant 0 : i32
    %dma_start3A_127 = arith.constant 0 : i32
    %dma_start3A_128 = tpu.memref_slice %arg6[%dma_start3A_125, %dma_start3A_126, %dma_start3A_127] : memref<4x128x128xf32, #tpu.memory_space<vmem>> -> memref<1x128x128xf32, #tpu.memory_space<vmem>>
    %dma_start3A_129 = tpu.memref_squeeze %dma_start3A_128 : memref<1x128x128xf32, #tpu.memory_space<vmem>> -> memref<128x128xf32, #tpu.memory_space<vmem>>
    %dma_start3A_130 = arith.constant 0 : i32
    %dma_start3A_131 = arith.constant 0 : i32
    %dma_start3A_132 = tpu.memref_slice %arg4[%add3A_124, %dma_start3A_130, %dma_start3A_131] : memref<128x128x128xf32, #tpu.memory_space<hbm>> -> memref<1x128x128xf32, #tpu.memory_space<hbm>>
    %dma_start3A_133 = tpu.memref_squeeze %dma_start3A_132 : memref<1x128x128xf32, #tpu.memory_space<hbm>> -> memref<128x128xf32, #tpu.memory_space<hbm>>
    %dma_start3A_134 = arith.constant 0 : i32
    %dma_start3A_135 = arith.constant 0 : i32
    %dma_start3A_136 = tpu.memref_slice %arg4[%add3A_124, %dma_start3A_134, %dma_start3A_135] : memref<128x128x128xf32, #tpu.memory_space<hbm>> -> memref<1x128x128xf32, #tpu.memory_space<hbm>>
    %dma_start3A_137 = tpu.memref_squeeze %dma_start3A_136 : memref<1x128x128xf32, #tpu.memory_space<hbm>> -> memref<128x128xf32, #tpu.memory_space<hbm>>
    %dma_start3A_138 = arith.constant 0 : i32
    %dma_start3A_139 = arith.constant 0 : i32
    %dma_start3A_140 = tpu.memref_slice %arg6[%dma_start3A_125, %dma_start3A_138, %dma_start3A_139] : memref<4x128x128xf32, #tpu.memory_space<vmem>> -> memref<1x128x128xf32, #tpu.memory_space<vmem>>
    %dma_start3A_141 = tpu.memref_squeeze %dma_start3A_140 : memref<1x128x128xf32, #tpu.memory_space<vmem>> -> memref<128x128xf32, #tpu.memory_space<vmem>>
    tpu.enqueue_dma source(%dma_start3A_141 : memref<128x128xf32, #tpu.memory_space<vmem>>) target(%dma_start3A_137 : memref<128x128xf32, #tpu.memory_space<hbm>>) target_semaphore(%arg8 : memref<!tpu.dma_semaphore, #tpu.memory_space<semaphore_mem>>)
    %dma_wait3A_142 = arith.constant 3 : i32
    %dma_wait3A_143 = arith.constant 3 : i32
    %dma_wait3A_144 = arith.constant 0 : i32
    %dma_wait3A_145 = arith.constant 0 : i32
    %dma_wait3A_146 = tpu.memref_slice %arg6[%dma_wait3A_143, %dma_wait3A_144, %dma_wait3A_145] : memref<4x128x128xf32, #tpu.memory_space<vmem>> -> memref<1x128x128xf32, #tpu.memory_space<vmem>>
    %dma_wait3A_147 = tpu.memref_squeeze %dma_wait3A_146 : memref<1x128x128xf32, #tpu.memory_space<vmem>> -> memref<128x128xf32, #tpu.memory_space<vmem>>
    %dma_wait3A_148 = arith.constant 0 : i32
    %dma_wait3A_149 = tpu.memref_slice %arg5[%dma_wait3A_142, %dma_wait3A_148] : memref<4x128xi32, #tpu.memory_space<vmem>> -> memref<1x128xi32, #tpu.memory_space<vmem>>
    %dma_wait3A_150 = tpu.memref_squeeze %dma_wait3A_149 : memref<1x128xi32, #tpu.memory_space<vmem>> -> memref<128xi32, #tpu.memory_space<vmem>>
    %dma_wait3A_151 = arith.constant 0 : i32
    %dma_wait3A_152 = arith.constant 0 : i32
    %dma_wait3A_153 = tpu.memref_slice %arg2[%dma_wait3A_151, %dma_wait3A_152] : memref<32768x128xf32, #tpu.memory_space<hbm>> -> memref<32768x128xf32, #tpu.memory_space<hbm>>
    tpu.wait_indirect_dma semaphore(%arg7 : memref<!tpu.dma_semaphore, #tpu.memory_space<semaphore_mem>>) src(%dma_wait3A_153 : memref<32768x128xf32, #tpu.memory_space<hbm>>) dst(%dma_wait3A_147 : memref<128x128xf32, #tpu.memory_space<vmem>>)
    %add3A_154 = arith.constant 3 : i32
    %add3A_155 = arith.addi %mul3A_2, %add3A_154 : i32
    %dma_start3A_156 = arith.constant 3 : i32
    %dma_start3A_157 = arith.constant 0 : i32
    %dma_start3A_158 = arith.constant 0 : i32
    %dma_start3A_159 = tpu.memref_slice %arg6[%dma_start3A_156, %dma_start3A_157, %dma_start3A_158] : memref<4x128x128xf32, #tpu.memory_space<vmem>> -> memref<1x128x128xf32, #tpu.memory_space<vmem>>
    %dma_start3A_160 = tpu.memref_squeeze %dma_start3A_159 : memref<1x128x128xf32, #tpu.memory_space<vmem>> -> memref<128x128xf32, #tpu.memory_space<vmem>>
    %dma_start3A_161 = arith.constant 0 : i32
    %dma_start3A_162 = arith.constant 0 : i32
    %dma_start3A_163 = tpu.memref_slice %arg4[%add3A_155, %dma_start3A_161, %dma_start3A_162] : memref<128x128x128xf32, #tpu.memory_space<hbm>> -> memref<1x128x128xf32, #tpu.memory_space<hbm>>
    %dma_start3A_164 = tpu.memref_squeeze %dma_start3A_163 : memref<1x128x128xf32, #tpu.memory_space<hbm>> -> memref<128x128xf32, #tpu.memory_space<hbm>>
    %dma_start3A_165 = arith.constant 0 : i32
    %dma_start3A_166 = arith.constant 0 : i32
    %dma_start3A_167 = tpu.memref_slice %arg4[%add3A_155, %dma_start3A_165, %dma_start3A_166] : memref<128x128x128xf32, #tpu.memory_space<hbm>> -> memref<1x128x128xf32, #tpu.memory_space<hbm>>
    %dma_start3A_168 = tpu.memref_squeeze %dma_start3A_167 : memref<1x128x128xf32, #tpu.memory_space<hbm>> -> memref<128x128xf32, #tpu.memory_space<hbm>>
    %dma_start3A_169 = arith.constant 0 : i32
    %dma_start3A_170 = arith.constant 0 : i32
    %dma_start3A_171 = tpu.memref_slice %arg6[%dma_start3A_156, %dma_start3A_169, %dma_start3A_170] : memref<4x128x128xf32, #tpu.memory_space<vmem>> -> memref<1x128x128xf32, #tpu.memory_space<vmem>>
    %dma_start3A_172 = tpu.memref_squeeze %dma_start3A_171 : memref<1x128x128xf32, #tpu.memory_space<vmem>> -> memref<128x128xf32, #tpu.memory_space<vmem>>
    tpu.enqueue_dma source(%dma_start3A_172 : memref<128x128xf32, #tpu.memory_space<vmem>>) target(%dma_start3A_168 : memref<128x128xf32, #tpu.memory_space<hbm>>) target_semaphore(%arg8 : memref<!tpu.dma_semaphore, #tpu.memory_space<semaphore_mem>>)
    %dma_wait3A_173 = arith.constant 0 : i32
    %dma_wait3A_174 = arith.constant 0 : i32
    %dma_wait3A_175 = arith.constant 0 : i32
    %dma_wait3A_176 = tpu.memref_slice %arg6[%dma_wait3A_173, %dma_wait3A_174, %dma_wait3A_175] : memref<4x128x128xf32, #tpu.memory_space<vmem>> -> memref<1x128x128xf32, #tpu.memory_space<vmem>>
    %dma_wait3A_177 = tpu.memref_squeeze %dma_wait3A_176 : memref<1x128x128xf32, #tpu.memory_space<vmem>> -> memref<128x128xf32, #tpu.memory_space<vmem>>
    %dma_wait3A_178 = arith.constant 0 : i32
    %dma_wait3A_179 = arith.constant 0 : i32
    %dma_wait3A_180 = tpu.memref_slice %arg4[%add3A_62, %dma_wait3A_178, %dma_wait3A_179] : memref<128x128x128xf32, #tpu.memory_space<hbm>> -> memref<1x128x128xf32, #tpu.memory_space<hbm>>
    %dma_wait3A_181 = tpu.memref_squeeze %dma_wait3A_180 : memref<1x128x128xf32, #tpu.memory_space<hbm>> -> memref<128x128xf32, #tpu.memory_space<hbm>>
    %dma_wait3A_182 = arith.constant 0 : i32
    %dma_wait3A_183 = arith.constant 0 : i32
    %dma_wait3A_184 = tpu.memref_slice %arg4[%add3A_62, %dma_wait3A_182, %dma_wait3A_183] : memref<128x128x128xf32, #tpu.memory_space<hbm>> -> memref<1x128x128xf32, #tpu.memory_space<hbm>>
    %dma_wait3A_185 = tpu.memref_squeeze %dma_wait3A_184 : memref<1x128x128xf32, #tpu.memory_space<hbm>> -> memref<128x128xf32, #tpu.memory_space<hbm>>
    %dma_wait3A_186 = arith.constant 0 : i32
    %dma_wait3A_187 = arith.constant 0 : i32
    %dma_wait3A_188 = tpu.memref_slice %arg6[%dma_wait3A_173, %dma_wait3A_186, %dma_wait3A_187] : memref<4x128x128xf32, #tpu.memory_space<vmem>> -> memref<1x128x128xf32, #tpu.memory_space<vmem>>
    %dma_wait3A_189 = tpu.memref_squeeze %dma_wait3A_188 : memref<1x128x128xf32, #tpu.memory_space<vmem>> -> memref<128x128xf32, #tpu.memory_space<vmem>>
    tpu.wait_dma2 semaphore(%arg8 : memref<!tpu.dma_semaphore, #tpu.memory_space<semaphore_mem>>) src(%dma_wait3A_189 : memref<128x128xf32, #tpu.memory_space<vmem>>) dst(%dma_wait3A_185 : memref<128x128xf32, #tpu.memory_space<hbm>>)
    %dma_wait3A_190 = arith.constant 1 : i32
    %dma_wait3A_191 = arith.constant 0 : i32
    %dma_wait3A_192 = arith.constant 0 : i32
    %dma_wait3A_193 = tpu.memref_slice %arg6[%dma_wait3A_190, %dma_wait3A_191, %dma_wait3A_192] : memref<4x128x128xf32, #tpu.memory_space<vmem>> -> memref<1x128x128xf32, #tpu.memory_space<vmem>>
    %dma_wait3A_194 = tpu.memref_squeeze %dma_wait3A_193 : memref<1x128x128xf32, #tpu.memory_space<vmem>> -> memref<128x128xf32, #tpu.memory_space<vmem>>
    %dma_wait3A_195 = arith.constant 0 : i32
    %dma_wait3A_196 = arith.constant 0 : i32
    %dma_wait3A_197 = tpu.memref_slice %arg4[%add3A_93, %dma_wait3A_195, %dma_wait3A_196] : memref<128x128x128xf32, #tpu.memory_space<hbm>> -> memref<1x128x128xf32, #tpu.memory_space<hbm>>
    %dma_wait3A_198 = tpu.memref_squeeze %dma_wait3A_197 : memref<1x128x128xf32, #tpu.memory_space<hbm>> -> memref<128x128xf32, #tpu.memory_space<hbm>>
    %dma_wait3A_199 = arith.constant 0 : i32
    %dma_wait3A_200 = arith.constant 0 : i32
    %dma_wait3A_201 = tpu.memref_slice %arg4[%add3A_93, %dma_wait3A_199, %dma_wait3A_200] : memref<128x128x128xf32, #tpu.memory_space<hbm>> -> memref<1x128x128xf32, #tpu.memory_space<hbm>>
    %dma_wait3A_202 = tpu.memref_squeeze %dma_wait3A_201 : memref<1x128x128xf32, #tpu.memory_space<hbm>> -> memref<128x128xf32, #tpu.memory_space<hbm>>
    %dma_wait3A_203 = arith.constant 0 : i32
    %dma_wait3A_204 = arith.constant 0 : i32
    %dma_wait3A_205 = tpu.memref_slice %arg6[%dma_wait3A_190, %dma_wait3A_203, %dma_wait3A_204] : memref<4x128x128xf32, #tpu.memory_space<vmem>> -> memref<1x128x128xf32, #tpu.memory_space<vmem>>
    %dma_wait3A_206 = tpu.memref_squeeze %dma_wait3A_205 : memref<1x128x128xf32, #tpu.memory_space<vmem>> -> memref<128x128xf32, #tpu.memory_space<vmem>>
    tpu.wait_dma2 semaphore(%arg8 : memref<!tpu.dma_semaphore, #tpu.memory_space<semaphore_mem>>) src(%dma_wait3A_206 : memref<128x128xf32, #tpu.memory_space<vmem>>) dst(%dma_wait3A_202 : memref<128x128xf32, #tpu.memory_space<hbm>>)
    %dma_wait3A_207 = arith.constant 2 : i32
    %dma_wait3A_208 = arith.constant 0 : i32
    %dma_wait3A_209 = arith.constant 0 : i32
    %dma_wait3A_210 = tpu.memref_slice %arg6[%dma_wait3A_207, %dma_wait3A_208, %dma_wait3A_209] : memref<4x128x128xf32, #tpu.memory_space<vmem>> -> memref<1x128x128xf32, #tpu.memory_space<vmem>>
    %dma_wait3A_211 = tpu.memref_squeeze %dma_wait3A_210 : memref<1x128x128xf32, #tpu.memory_space<vmem>> -> memref<128x128xf32, #tpu.memory_space<vmem>>
    %dma_wait3A_212 = arith.constant 0 : i32
    %dma_wait3A_213 = arith.constant 0 : i32
    %dma_wait3A_214 = tpu.memref_slice %arg4[%add3A_124, %dma_wait3A_212, %dma_wait3A_213] : memref<128x128x128xf32, #tpu.memory_space<hbm>> -> memref<1x128x128xf32, #tpu.memory_space<hbm>>
    %dma_wait3A_215 = tpu.memref_squeeze %dma_wait3A_214 : memref<1x128x128xf32, #tpu.memory_space<hbm>> -> memref<128x128xf32, #tpu.memory_space<hbm>>
    %dma_wait3A_216 = arith.constant 0 : i32
    %dma_wait3A_217 = arith.constant 0 : i32
    %dma_wait3A_218 = tpu.memref_slice %arg4[%add3A_124, %dma_wait3A_216, %dma_wait3A_217] : memref<128x128x128xf32, #tpu.memory_space<hbm>> -> memref<1x128x128xf32, #tpu.memory_space<hbm>>
    %dma_wait3A_219 = tpu.memref_squeeze %dma_wait3A_218 : memref<1x128x128xf32, #tpu.memory_space<hbm>> -> memref<128x128xf32, #tpu.memory_space<hbm>>
    %dma_wait3A_220 = arith.constant 0 : i32
    %dma_wait3A_221 = arith.constant 0 : i32
    %dma_wait3A_222 = tpu.memref_slice %arg6[%dma_wait3A_207, %dma_wait3A_220, %dma_wait3A_221] : memref<4x128x128xf32, #tpu.memory_space<vmem>> -> memref<1x128x128xf32, #tpu.memory_space<vmem>>
    %dma_wait3A_223 = tpu.memref_squeeze %dma_wait3A_222 : memref<1x128x128xf32, #tpu.memory_space<vmem>> -> memref<128x128xf32, #tpu.memory_space<vmem>>
    tpu.wait_dma2 semaphore(%arg8 : memref<!tpu.dma_semaphore, #tpu.memory_space<semaphore_mem>>) src(%dma_wait3A_223 : memref<128x128xf32, #tpu.memory_space<vmem>>) dst(%dma_wait3A_219 : memref<128x128xf32, #tpu.memory_space<hbm>>)
    %dma_wait3A_224 = arith.constant 3 : i32
    %dma_wait3A_225 = arith.constant 0 : i32
    %dma_wait3A_226 = arith.constant 0 : i32
    %dma_wait3A_227 = tpu.memref_slice %arg6[%dma_wait3A_224, %dma_wait3A_225, %dma_wait3A_226] : memref<4x128x128xf32, #tpu.memory_space<vmem>> -> memref<1x128x128xf32, #tpu.memory_space<vmem>>
    %dma_wait3A_228 = tpu.memref_squeeze %dma_wait3A_227 : memref<1x128x128xf32, #tpu.memory_space<vmem>> -> memref<128x128xf32, #tpu.memory_space<vmem>>
    %dma_wait3A_229 = arith.constant 0 : i32
    %dma_wait3A_230 = arith.constant 0 : i32
    %dma_wait3A_231 = tpu.memref_slice %arg4[%add3A_155, %dma_wait3A_229, %dma_wait3A_230] : memref<128x128x128xf32, #tpu.memory_space<hbm>> -> memref<1x128x128xf32, #tpu.memory_space<hbm>>
    %dma_wait3A_232 = tpu.memref_squeeze %dma_wait3A_231 : memref<1x128x128xf32, #tpu.memory_space<hbm>> -> memref<128x128xf32, #tpu.memory_space<hbm>>
    %dma_wait3A_233 = arith.constant 0 : i32
    %dma_wait3A_234 = arith.constant 0 : i32
    %dma_wait3A_235 = tpu.memref_slice %arg4[%add3A_155, %dma_wait3A_233, %dma_wait3A_234] : memref<128x128x128xf32, #tpu.memory_space<hbm>> -> memref<1x128x128xf32, #tpu.memory_space<hbm>>
    %dma_wait3A_236 = tpu.memref_squeeze %dma_wait3A_235 : memref<1x128x128xf32, #tpu.memory_space<hbm>> -> memref<128x128xf32, #tpu.memory_space<hbm>>
    %dma_wait3A_237 = arith.constant 0 : i32
    %dma_wait3A_238 = arith.constant 0 : i32
    %dma_wait3A_239 = tpu.memref_slice %arg6[%dma_wait3A_224, %dma_wait3A_237, %dma_wait3A_238] : memref<4x128x128xf32, #tpu.memory_space<vmem>> -> memref<1x128x128xf32, #tpu.memory_space<vmem>>
    %dma_wait3A_240 = tpu.memref_squeeze %dma_wait3A_239 : memref<1x128x128xf32, #tpu.memory_space<vmem>> -> memref<128x128xf32, #tpu.memory_space<vmem>>
    tpu.wait_dma2 semaphore(%arg8 : memref<!tpu.dma_semaphore, #tpu.memory_space<semaphore_mem>>) src(%dma_wait3A_240 : memref<128x128xf32, #tpu.memory_space<vmem>>) dst(%dma_wait3A_236 : memref<128x128xf32, #tpu.memory_space<hbm>>)
    return
  }
}

module attributes {stable_mosaic.version = 14 : i64} {
  func.func @_tc_body(%arg0: i32, %arg1: memref<1024x128xf32, #tpu.memory_space<vmem>>, %arg2: memref<128x8192xf32, #tpu.memory_space<vmem>>, %arg3: memref<128x8192xf32, #tpu.memory_space<vmem>>, %arg4: memref<8192x128xf32, #tpu.memory_space<vmem>>, %arg5: memref<1024x64xf32, #tpu.memory_space<vmem>>, %arg6: memref<128x128xf32, #tpu.memory_space<vmem>>, %arg7: memref<128x128xf32, #tpu.memory_space<vmem>>, %arg8: memref<128x128xf32, #tpu.memory_space<vmem>>) attributes {dimension_semantics = [#tpu.dimension_semantics<arbitrary>], iteration_bounds = array<i64: 2>, scalar_prefetch = 0 : i64, scratch_operands = 3 : i64, tpu.core_type = #tpu.core_type<tc>, window_params = [{pipeline_mode = #tpu.pipeline_mode<synchronous>, transform_indices = @transform_0, window_bounds = array<i64: 1024, 128>}, {transform_indices = @transform_1, window_bounds = array<i64: 128, 8192>}, {transform_indices = @transform_2, window_bounds = array<i64: 128, 8192>}, {transform_indices = @transform_3, window_bounds = array<i64: 8192, 128>}, {pipeline_mode = #tpu.pipeline_mode<synchronous>, transform_indices = @transform_4, window_bounds = array<i64: 1024, 64>}]} {
    %eq3A = arith.constant 0 : i32
    %eq3A_0 = arith.cmpi eq, %arg0, %eq3A : i32
    %convert_element_type3A = arith.extui %eq3A_0 : i1 to i32
    %cond3A = arith.constant 0 : i32
    %cond3A_1 = arith.cmpi ne, %convert_element_type3A, %cond3A : i32
    scf.if %cond3A_1 {
      %broadcast_in_dim3A = arith.constant 0.000000e+00 : f32
      %broadcast_in_dim3A_48 = vector.broadcast %broadcast_in_dim3A : f32 to vector<128x128xf32>
      %swap3A_49 = arith.constant 0 : index
      %swap3A_50 = arith.constant 0 : index
      %swap3A_51 = vector.load %arg6[%swap3A_49, %swap3A_50] : memref<128x128xf32, #tpu.memory_space<vmem>>, vector<128x128xf32>
      tpu.vector_store %arg6[%swap3A_49, %swap3A_50], %broadcast_in_dim3A_48 {strides = array<i32>} : memref<128x128xf32, #tpu.memory_space<vmem>>, vector<128x128xf32>,
      %broadcast_in_dim3A_52 = arith.constant 0.000000e+00 : f32
      %broadcast_in_dim3A_53 = vector.broadcast %broadcast_in_dim3A_52 : f32 to vector<128x128xf32>
      %swap3A_54 = arith.constant 0 : index
      %swap3A_55 = arith.constant 0 : index
      %swap3A_56 = vector.load %arg7[%swap3A_54, %swap3A_55] : memref<128x128xf32, #tpu.memory_space<vmem>>, vector<128x128xf32>
      tpu.vector_store %arg7[%swap3A_54, %swap3A_55], %broadcast_in_dim3A_53 {strides = array<i32>} : memref<128x128xf32, #tpu.memory_space<vmem>>, vector<128x128xf32>,
      %broadcast_in_dim3A_57 = arith.constant 0.000000e+00 : f32
      %broadcast_in_dim3A_58 = vector.broadcast %broadcast_in_dim3A_57 : f32 to vector<128x128xf32>
      %swap3A_59 = arith.constant 0 : index
      %swap3A_60 = arith.constant 0 : index
      %swap3A_61 = vector.load %arg8[%swap3A_59, %swap3A_60] : memref<128x128xf32, #tpu.memory_space<vmem>>, vector<128x128xf32>
      tpu.vector_store %arg8[%swap3A_59, %swap3A_60], %broadcast_in_dim3A_58 {strides = array<i32>} : memref<128x128xf32, #tpu.memory_space<vmem>>, vector<128x128xf32>,
    } else {
    }
    %get3A = arith.constant 0 : index
    %get3A_2 = arith.constant 0 : index
    %get3A_3 = vector.load %arg2[%get3A, %get3A_2] : memref<128x8192xf32, #tpu.memory_space<vmem>>, vector<128x8192xf32>
    %get3A_4 = arith.constant 0 : index
    %get3A_5 = arith.constant 0 : index
    %get3A_6 = vector.load %arg3[%get3A_4, %get3A_5] : memref<128x8192xf32, #tpu.memory_space<vmem>>, vector<128x8192xf32>
    %get3A_7 = arith.constant 0 : index
    %get3A_8 = arith.constant 0 : index
    %get3A_9 = vector.load %arg4[%get3A_7, %get3A_8] : memref<8192x128xf32, #tpu.memory_space<vmem>>, vector<8192x128xf32>
    %get3A_10 = arith.constant 0 : index
    %get3A_11 = arith.constant 0 : index
    %get3A_12 = vector.load %arg6[%get3A_10, %get3A_11] : memref<128x128xf32, #tpu.memory_space<vmem>>, vector<128x128xf32>
    %dot_general3A = arith.constant dense<0.000000e+00> : vector<128x128xf32>
    %dot_general3A_13 = tpu.matmul %get3A_3, %get3A_3, %dot_general3A {dimension_numbers = #tpu.dot_dimension_numbers<[1], [1], [0], [0], [0, 0, 1, 0], [], []>, transpose_lhs_hint = false} : vector<128x8192xf32>, vector<128x8192xf32>, vector<128x128xf32> -> vector<128x128xf32>
    %add3A = arith.addf %get3A_12, %dot_general3A_13 : vector<128x128xf32>
    %swap3A = arith.constant 0 : index
    %swap3A_14 = arith.constant 0 : index
    %swap3A_15 = vector.load %arg6[%swap3A, %swap3A_14] : memref<128x128xf32, #tpu.memory_space<vmem>>, vector<128x128xf32>
    tpu.vector_store %arg6[%swap3A, %swap3A_14], %add3A {strides = array<i32>} : memref<128x128xf32, #tpu.memory_space<vmem>>, vector<128x128xf32>,
    %get3A_16 = arith.constant 0 : index
    %get3A_17 = arith.constant 0 : index
    %get3A_18 = vector.load %arg6[%get3A_16, %get3A_17] : memref<128x128xf32, #tpu.memory_space<vmem>>, vector<128x128xf32>
    %dot_general3A_19 = arith.constant dense<0.000000e+00> : vector<128x128xf32>
    %dot_general3A_20 = tpu.matmul %get3A_6, %get3A_6, %dot_general3A_19 {dimension_numbers = #tpu.dot_dimension_numbers<[1], [1], [0], [0], [0, 0, 1, 0], [], []>, transpose_lhs_hint = false} : vector<128x8192xf32>, vector<128x8192xf32>, vector<128x128xf32> -> vector<128x128xf32>
    %add3A_21 = arith.addf %get3A_18, %dot_general3A_20 : vector<128x128xf32>
    %swap3A_22 = arith.constant 0 : index
    %swap3A_23 = arith.constant 0 : index
    %swap3A_24 = vector.load %arg6[%swap3A_22, %swap3A_23] : memref<128x128xf32, #tpu.memory_space<vmem>>, vector<128x128xf32>
    tpu.vector_store %arg6[%swap3A_22, %swap3A_23], %add3A_21 {strides = array<i32>} : memref<128x128xf32, #tpu.memory_space<vmem>>, vector<128x128xf32>,
    %get3A_25 = arith.constant 0 : index
    %get3A_26 = arith.constant 0 : index
    %get3A_27 = vector.load %arg7[%get3A_25, %get3A_26] : memref<128x128xf32, #tpu.memory_space<vmem>>, vector<128x128xf32>
    %dot_general3A_28 = arith.constant dense<0.000000e+00> : vector<128x128xf32>
    %dot_general3A_29 = tpu.matmul %get3A_3, %get3A_9, %dot_general3A_28 {dimension_numbers = #tpu.dot_dimension_numbers<[1], [0], [0], [1], [0, 0, 1, 1], [], []>, transpose_lhs_hint = false} : vector<128x8192xf32>, vector<8192x128xf32>, vector<128x128xf32> -> vector<128x128xf32>
    %add3A_30 = arith.addf %get3A_27, %dot_general3A_29 : vector<128x128xf32>
    %swap3A_31 = arith.constant 0 : index
    %swap3A_32 = arith.constant 0 : index
    %swap3A_33 = vector.load %arg7[%swap3A_31, %swap3A_32] : memref<128x128xf32, #tpu.memory_space<vmem>>, vector<128x128xf32>
    tpu.vector_store %arg7[%swap3A_31, %swap3A_32], %add3A_30 {strides = array<i32>} : memref<128x128xf32, #tpu.memory_space<vmem>>, vector<128x128xf32>,
    %get3A_34 = arith.constant 0 : index
    %get3A_35 = arith.constant 0 : index
    %get3A_36 = vector.load %arg8[%get3A_34, %get3A_35] : memref<128x128xf32, #tpu.memory_space<vmem>>, vector<128x128xf32>
    %dot_general3A_37 = arith.constant dense<0.000000e+00> : vector<128x128xf32>
    %dot_general3A_38 = tpu.matmul %get3A_6, %get3A_9, %dot_general3A_37 {dimension_numbers = #tpu.dot_dimension_numbers<[1], [0], [0], [1], [0, 0, 1, 1], [], []>, transpose_lhs_hint = false} : vector<128x8192xf32>, vector<8192x128xf32>, vector<128x128xf32> -> vector<128x128xf32>
    %add3A_39 = arith.addf %get3A_36, %dot_general3A_38 : vector<128x128xf32>
    %swap3A_40 = arith.constant 0 : index
    %swap3A_41 = arith.constant 0 : index
    %swap3A_42 = vector.load %arg8[%swap3A_40, %swap3A_41] : memref<128x128xf32, #tpu.memory_space<vmem>>, vector<128x128xf32>
    tpu.vector_store %arg8[%swap3A_40, %swap3A_41], %add3A_39 {strides = array<i32>} : memref<128x128xf32, #tpu.memory_space<vmem>>, vector<128x128xf32>,
    %eq3A_43 = arith.constant 1 : i32
    %eq3A_44 = arith.cmpi eq, %arg0, %eq3A_43 : i32
    %convert_element_type3A_45 = arith.extui %eq3A_44 : i1 to i32
    %cond3A_46 = arith.constant 0 : i32
    %cond3A_47 = arith.cmpi ne, %convert_element_type3A_45, %cond3A_46 : i32
    scf.if %cond3A_47 {
      %get3A_48 = arith.constant 0 : index
      %get3A_49 = arith.constant 0 : index
      %get3A_50 = vector.load %arg1[%get3A_48, %get3A_49] : memref<1024x128xf32, #tpu.memory_space<vmem>>, vector<1024x128xf32>
      %get3A_51 = arith.constant 0 : index
      %get3A_52 = arith.constant 0 : index
      %get3A_53 = vector.load %arg7[%get3A_51, %get3A_52] : memref<128x128xf32, #tpu.memory_space<vmem>>, vector<128x128xf32>
      %get3A_54 = arith.constant 0 : index
      %get3A_55 = arith.constant 0 : index
      %get3A_56 = vector.load %arg8[%get3A_54, %get3A_55] : memref<128x128xf32, #tpu.memory_space<vmem>>, vector<128x128xf32>
      %slice3A = vector.extract_strided_slice %get3A_53 {offsets = [0, 0], sizes = [128, 64], strides = [1, 1]} : vector<128x128xf32> to vector<128x64xf32>
      %slice3A_57 = vector.extract_strided_slice %get3A_56 {offsets = [0, 64], sizes = [128, 64], strides = [1, 1]} : vector<128x128xf32> to vector<128x64xf32>
      %sub3A = arith.subf %slice3A, %slice3A_57 : vector<128x64xf32>
      %slice3A_58 = vector.extract_strided_slice %get3A_53 {offsets = [0, 64], sizes = [128, 64], strides = [1, 1]} : vector<128x128xf32> to vector<128x64xf32>
      %slice3A_59 = vector.extract_strided_slice %get3A_56 {offsets = [0, 0], sizes = [128, 64], strides = [1, 1]} : vector<128x128xf32> to vector<128x64xf32>
      %add3A_60 = arith.addf %slice3A_58, %slice3A_59 : vector<128x64xf32>
      %get3A_61 = arith.constant 0 : index
      %get3A_62 = arith.constant 0 : index
      %get3A_63 = vector.load %arg6[%get3A_61, %get3A_62] : memref<128x128xf32, #tpu.memory_space<vmem>>, vector<128x128xf32>
      %dot_general3A_64 = arith.constant dense<0.000000e+00> : vector<1024x128xf32>
      %dot_general3A_65 = tpu.matmul %get3A_50, %get3A_63, %dot_general3A_64 {dimension_numbers = #tpu.dot_dimension_numbers<[1], [0], [0], [1], [0, 0, 1, 1], [], []>, transpose_lhs_hint = false} : vector<1024x128xf32>, vector<128x128xf32>, vector<1024x128xf32> -> vector<1024x128xf32>
      %mul3A = arith.mulf %dot_general3A_65, %get3A_50 : vector<1024x128xf32>
      %reduce_sum3A = arith.constant dense<0.000000e+00> : vector<1024xf32>
      %reduce_sum3A_66 = vector.multi_reduction <add>, %mul3A, %reduce_sum3A [1] : vector<1024x128xf32> to vector<1024xf32>
      %broadcast_in_dim3A = vector.shape_cast %reduce_sum3A_66 : vector<1024xf32> to vector<1024x1xf32>
      %max3A = arith.constant 0.000000e+00 : f32
      %max3A_67 = vector.broadcast %max3A : f32 to vector<1024x1xf32>
      %max3A_68 = arith.maximumf %broadcast_in_dim3A, %max3A_67 : vector<1024x1xf32>
      %sqrt3A = math.sqrt %max3A_68 : vector<1024x1xf32>
      %add3A_69 = arith.constant 9.99999968E-21 : f32
      %add3A_70 = vector.broadcast %add3A_69 : f32 to vector<1024x1xf32>
      %add3A_71 = arith.addf %sqrt3A, %add3A_70 : vector<1024x1xf32>
      %dot_general3A_72 = arith.constant dense<0.000000e+00> : vector<1024x64xf32>
      %dot_general3A_73 = tpu.matmul %get3A_50, %sub3A, %dot_general3A_72 {dimension_numbers = #tpu.dot_dimension_numbers<[1], [0], [0], [1], [0, 0, 1, 1], [], []>, transpose_lhs_hint = false} : vector<1024x128xf32>, vector<128x64xf32>, vector<1024x64xf32> -> vector<1024x64xf32>
      %dot_general3A_74 = arith.constant dense<0.000000e+00> : vector<1024x64xf32>
      %dot_general3A_75 = tpu.matmul %get3A_50, %add3A_60, %dot_general3A_74 {dimension_numbers = #tpu.dot_dimension_numbers<[1], [0], [0], [1], [0, 0, 1, 1], [], []>, transpose_lhs_hint = false} : vector<1024x128xf32>, vector<128x64xf32>, vector<1024x64xf32> -> vector<1024x64xf32>
      %mul3A_76 = arith.mulf %dot_general3A_73, %dot_general3A_73 : vector<1024x64xf32>
      %mul3A_77 = arith.mulf %dot_general3A_75, %dot_general3A_75 : vector<1024x64xf32>
      %add3A_78 = arith.addf %mul3A_76, %mul3A_77 : vector<1024x64xf32>
      %mul3A_79 = arith.mulf %add3A_71, %add3A_71 : vector<1024x1xf32>
      %div3A = vector.broadcast %mul3A_79 : vector<1024x1xf32> to vector<1024x64xf32>
      %div3A_80 = arith.divf %add3A_78, %div3A : vector<1024x64xf32>
      %swap3A_81 = arith.constant 0 : index
      %swap3A_82 = arith.constant 0 : index
      %swap3A_83 = vector.load %arg5[%swap3A_81, %swap3A_82] : memref<1024x64xf32, #tpu.memory_space<vmem>>, vector<1024x64xf32>
      tpu.vector_store %arg5[%swap3A_81, %swap3A_82], %div3A_80 {strides = array<i32>} : memref<1024x64xf32, #tpu.memory_space<vmem>>, vector<1024x64xf32>,
    } else {
    }
    return
  }
  func.func @transform_0(%arg0: i32) -> (i32, i32) {
    %c0_i32 = arith.constant 0 : i32
    %c0_i32_0 = arith.constant 0 : i32
    %c0_i32_1 = arith.constant 0 : i32
    return %c0_i32, %c0_i32_0 : i32, i32
  }
  func.func @transform_1(%arg0: i32) -> (i32, i32) {
    %c0_i32 = arith.constant 0 : i32
    %c0_i32_0 = arith.constant 0 : i32
    return %c0_i32, %arg0 : i32, i32
  }
  func.func @transform_2(%arg0: i32) -> (i32, i32) {
    %c0_i32 = arith.constant 0 : i32
    %c0_i32_0 = arith.constant 0 : i32
    return %c0_i32, %arg0 : i32, i32
  }
  func.func @transform_3(%arg0: i32) -> (i32, i32) {
    %c0_i32 = arith.constant 0 : i32
    %c0_i32_0 = arith.constant 0 : i32
    return %arg0, %c0_i32 : i32, i32
  }
  func.func @transform_4(%arg0: i32) -> (i32, i32) {
    %c0_i32 = arith.constant 0 : i32
    %c0_i32_0 = arith.constant 0 : i32
    %c0_i32_1 = arith.constant 0 : i32
    return %c0_i32, %c0_i32_0 : i32, i32
  }
}

</mosaic_0001>

<sc_bundles>
// kernel: kernel.4.cloned.1.call-start
scs
__scs_entry_jumppad:
0x0: {  	(pc) =	sbr.rel $0x88, $3  }
0x1: {  	(tag) =	ssettag $0x0;
	lr =	simm.s32 $0x1  }
0x2: {  	[smem:$0x3F9B] =	sst lr;
	_ =	strace $0xD0000000  }
0x3: {  	_ = 	snop  }
0x4: {  	_ = 	snop  }
0x5: {  	_ = 	snop  }
0x6: {  	_ = 	snop  }
0x7: {  	_ = 	snop  }
__scs_overlays_trampoline_lowered:
0x8: {  	[smem:$0x3FAA] =	sst s0  }
0x9: {  	[smem:$0x3FAB] =	sst s1  }
0xa: {  	[smem:$0x3FAC] =	sst s2  }
0xb: {  	[smem:$0x3FAD] =	sst s3  }
0xc: {  	[smem:$0x3FAE] =	sst s4  }
0xd: {  	[smem:$0x3FAF] =	sst s5  }
0xe: {  	[smem:$0x3FB0] =	sst s6  }
0xf: {  	[smem:$0x3FB1] =	sst s7  }
0x10: {  	[smem:$0x3FB2] =	sst s8  }
0x11: {  	[smem:$0x3FB3] =	sst s9;
	s0 =	simm.s32 @!p0 $0x0  }
0x12: {  	s1 =	sld [smem:$0x3F99];
	s0 =	simm.s32 @p0 $0x1  }
0x13: {  	[smem:$0x3FB4] =	sst s0;
	s0 =	simm.s32 @!p1 $0x0  }
0x14: {  	s2 =	sld [smem:$0x3F98];
	s0 =	simm.s32 @p1 $0x1  }
0x15: {  	[smem:$0x3FB5] =	sst s0;
	s0 =	simm.s32 @!p2 $0x0  }
0x16: {  	s3 =	sld [smem:$0x3FDB];
	s0 =	simm.s32 @p2 $0x1  }
0x17: {  	s4 =	simm.s32 $0x1BF5;
	[smem:$0x3FB7] =	sst s0  }
0x18: {  	s0 =	sld [smem:$0x3F9A];
	_ =	swait.ge [sflag:s4], $0x0  }
0x19: {  	s7 =	sld [smem:$0x3F9B]  }
0x1a: {  	s8 =	sadd.s32 $0xFFFFE003, lr  }
0x1b: {  	s9 =	sadd.s32 $0xFFFFFEF7, lr;
	s5 =	simm.s32 $0xFFFFFFFF;
	p2 =	slt.u32 s8, $0xFFFFF086  }
0x1c: {  	p1 =	slt.u32 s9, $0xF7A;
	s5 =	simm.s32 @!p2 $0x0  }
0x1d: {  	s5 =	simm.s32 @p1 $0x1;
	p0 =	seq.s32 s7, s2  }
0x1e: {  	s7 =	smul.u32 @!p0 $0xF7A, s2;
	p2 =	seq.s32 @!p0 s5, $0x0  }
0x1f: {  	s9 =	smul.u32 $0xF7A, s1;
	s8 =	simm.s32 @!p0 $0x1BF5;
	p2 =	por !p2, p0  }
0x20: {  	[sflag:s8] =	ssyncset.s32 @!p0 $0xFFFFF086;
	s6 =	sadd.s32 @!p0 s3, s7;
	s7 =	simm.s32 @!p0 $0x108  }
0x21: {  	s3 =	sadd.s32 s3, s9;
	s6 =	sadd.s32 @!p0 $0x88, s6;
	s7 =	simm.s32 @p2 $0x1082  }
0x22: {  	[simem:s7], [sflag:s8] =	dma.local @!p0 [hbm:s6], $0xF7A  }
0x23: {  	s9 =	sor.u32 $0xD0000000, s2;
	s6 =	simm.s32 $0x108;
	_ =	swait.ge @!p0 [sflag:s8], $0x0  }
0x24: {  	s3 =	sadd.s32 $0x88, s3;
	s6 =	simm.s32 @!p1 $0x1082;
	[sflag:s4] =	ssyncset.s32 $0xFFFFF086  }
0x25: {  	[simem:s6], [sflag:s4] =	dma.local [hbm:s3], $0xF7A  }
0x26: {  	[smem:$0x3F9B] =	sst s1;
	(tag) =	ssettag s2;
	_ =	strace s9  }
0x27: {  	s1 =	sld [smem:$0x3FAB]  }
0x28: {  	s2 =	sld [smem:$0x3FAC]  }
0x29: {  	s4 =	sld [smem:$0x3FAE]  }
0x2a: {  	p0 =	seq.s32 s5, $0x0;
	s5 =	sld [smem:$0x3FAF]  }
0x2b: {  	s6 =	sld [smem:$0x3FB0]  }
0x2c: {  	s7 =	sld [smem:$0x3FB1]  }
0x2d: {  	s3 =	simm.s32 $0x108;
	s8 =	sld [smem:$0x3FB2]  }
0x2e: {  	s3 =	simm.s32 @!p0 $0x1082;
	s9 =	sld [smem:$0x3FB3]  }
0x2f: {  	lr =	sadd.s32 s0, s3;
	s0 =	sld [smem:$0x3FAA]  }
0x30: {  	s3 =	sld [smem:$0x3FAD]  }
0x31: {  	[smem:$0x3FB6] =	sst s10  }
0x32: {  	s10 =	sld [smem:$0x3FB4];
	_ =	sdelay $0x3  }
0x33: {  	p0 =	seq.s32 s10, $0x1;
	s10 =	sld [smem:$0x3FB6];
	_ =	sdelay $0x3  }
0x34: {  	[smem:$0x3FB6] =	sst s10  }
0x35: {  	s10 =	sld [smem:$0x3FB5];
	_ =	sdelay $0x3  }
0x36: {  	p1 =	seq.s32 s10, $0x1;
	s10 =	sld [smem:$0x3FB6];
	_ =	sdelay $0x3  }
0x37: {  	[smem:$0x3FB6] =	sst s10  }
0x38: {  	s10 =	sld [smem:$0x3FB7]  }
0x39: {  	_ = 	snop;
	(pc) =	sbr.ind lr, $3  }
0x3a: {  	_ = 	snop  }
0x3b: {  	_ = 	snop  }
0x3c: {  	p2 =	seq.s32 s10, $0x1;
	s10 =	sld [smem:$0x3FB6]  }
0x3d: {  	_ =	shalt  }
0x3e: {  	_ =	shalt  }
0x3f: {  	_ =	shalt  }
0x40: {  	_ =	shalt  }
0x41: {  	_ =	shalt  }
0x42: {  	_ =	shalt  }
0x43: {  	_ =	shalt  }
0x44: {  	_ =	shalt  }
0x45: {  	_ =	shalt  }
0x46: {  	_ =	shalt  }
0x47: {  	_ =	shalt  }
0x48: {  	_ =	shalt  }
0x49: {  	_ =	shalt  }
0x4a: {  	_ =	shalt  }
0x4b: {  	_ =	shalt  }
0x4c: {  	_ =	shalt  }
0x4d: {  	_ =	shalt  }
0x4e: {  	_ =	shalt  }
0x4f: {  	_ =	shalt  }
0x50: {  	_ =	shalt  }
0x51: {  	_ =	shalt  }
0x52: {  	_ =	shalt  }
0x53: {  	_ =	shalt  }
0x54: {  	_ =	shalt  }
0x55: {  	_ =	shalt  }
0x56: {  	_ =	shalt  }
0x57: {  	_ =	shalt  }
0x58: {  	_ =	shalt  }
0x59: {  	_ =	shalt  }
0x5a: {  	_ =	shalt  }
0x5b: {  	_ =	shalt  }
0x5c: {  	_ =	shalt  }
0x5d: {  	_ =	shalt  }
0x5e: {  	_ =	shalt  }
0x5f: {  	_ =	shalt  }
0x60: {  	_ =	shalt  }
0x61: {  	_ =	shalt  }
0x62: {  	_ =	shalt  }
0x63: {  	_ =	shalt  }
0x64: {  	_ =	shalt  }
0x65: {  	_ =	shalt  }
0x66: {  	_ =	shalt  }
0x67: {  	_ =	shalt  }
0x68: {  	_ =	shalt  }
0x69: {  	_ =	shalt  }
0x6a: {  	_ =	shalt  }
0x6b: {  	_ =	shalt  }
0x6c: {  	_ =	shalt  }
0x6d: {  	_ =	shalt  }
0x6e: {  	_ =	shalt  }
0x6f: {  	_ =	shalt  }
0x70: {  	_ =	shalt  }
0x71: {  	_ =	shalt  }
0x72: {  	_ =	shalt  }
0x73: {  	_ =	shalt  }
0x74: {  	_ =	shalt  }
0x75: {  	_ =	shalt  }
0x76: {  	_ =	shalt  }
0x77: {  	_ =	shalt  }
0x78: {  	_ =	shalt  }
0x79: {  	_ =	shalt  }
0x7a: {  	_ =	shalt  }
0x7b: {  	_ =	shalt  }
0x7c: {  	_ =	shalt  }
0x7d: {  	_ =	shalt  }
0x7e: {  	_ =	shalt  }
0x7f: {  	_ =	shalt  }
0x80: {  	_ =	shalt  }
0x81: {  	_ =	shalt  }
0x82: {  	_ =	shalt  }
0x83: {  	_ =	shalt  }
0x84: {  	_ =	shalt  }
0x85: {  	_ =	shalt  }
0x86: {  	_ =	shalt  }
0x87: {  	_ =	shalt  }
.Lfunc_end0:
.L_simem_size_0:
called_computation_lowered:
.L_overlay_start_0:
0x88: {  	s2 =	sld [smem:$0x3FD9]  }
0x89: {  	s3 =	sld [smem:$0x3FFE];
	_ =	sdelay $0x1  }
0x8a: {  	s1 =	srdreg.scid  }
0x8b: {  	s0 =	sand.u32 $0x1, s1  }
0x8c: {  	s17 =	sshll.u32 s0, $0xA;
	s2 =	sadd.s32 s3, s2  }
0x8d: {  	s2 =	sadd.s32 s2, s17  }
0x8e: {  	[smem:$0x3FC2] =	sst s2  }
0x8f: {  	_ = 	snop  }
0x90: {  	s2 =	sld [smem:$0x3FC4];
	(tm) =	ssettm $0x1  }
0x91: {  	s18 =	sld [smem:$0x3FFB];
	_ =	sdelay $0x3  }
0x92: {  	_ =	strace s18  }
0x93: {  	s3 =	sld [smem:$0x3FFC];
	_ =	sdelay $0x3  }
0x94: {  	_ =	strace s3  }
0x95: {  	s3 =	sld [smem:$0x3FFD];
	_ =	sdelay $0x3  }
0x96: {  	_ =	strace s3  }
0x97: {  	_ =	strace $0x8FFFFFFF  }
0x98: {  	s19 =	sld [smem:$0x3FDB];
	_ =	sdelay $0x1  }
0x99: {  	s4 =	simm.s32 $_scs_section_size  }
0x9a: {  	s5 =	simm.s32 $_size__tile_overlayer_lowered;
	s6 =	simm.s32 $_tile_overlayer_lowered  }
0x9b: {  	s22 =	simm.s32 $0x1BFF;
	s21 =	sshll.u32 s6, $0x1;
	s3 =	sadd.s32 s4, s19  }
0x9c: {  	s7 =	simm.s32 $0x0;
	s20 =	sshll.u32 s5, $0x1;
	s5 =	sadd.s32 s21, s3  }
0x9d: {  	[timem:s7], [sflag:s22] =	dma.local [hbm:s5], s20  }
0x9e: {  	_ =	swait.ge [sflag:s22], s20  }
0x9f: {  	s4 =	ssub.s32 $0x0, s20;
	[sflag:s22] =	ssyncset.done $0x0  }
0xa0: {  	[sflag:s22] =	ssyncadd.s32 s4;
	_ =	sdelay $0x1  }
0xa1: {  	s23 =	simm.s32 $0x1B8B  }
0xa2: {  	_ =	swait.ge [sflag:s23], $0x1  }
0xa3: {  	[sflag:s23] =	ssyncset.done $0x0  }
0xa4: {  	s25 =	simm.s32 $0x1B8E;
	s24 =	sld [smem:$0x3FFE];
	[sflag:s23] =	ssyncadd.s32 $0xFFFFFFFF  }
0xa5: {  	s26 =	simm.s32 $execute0_lowered;
	[smem:$0x3FD2] =	sst s25  }
0xa6: {  	s5 =	sshll.u32 s26, $0x1;
	_ =	strace $0x80000046;
	[dreg:$0x1] =	wrdreg $0xFFFFFFFF  }
0xa7: {  	s28 =	simm.s32 $_size_execute0_lowered;
	s3 =	sadd.s32 s3, s5;
	[dreg:$0x0] =	wrdreg $0x0  }
0xa8: {  	s5 =	sshll.u32 s28, $0x1;
	[dreg:$0x2] =	wrdreg s3  }
0xa9: {  	[dreg:$0x3] =	wrdreg s5  }
0xaa: {  	[dreg:$0x4] =	wrdreg $0xC0  }
0xab: {  	_ =	task [dreg:s7], $0x5FFFF  }
0xac: {  	[dreg:$0x1] =	wrdreg $0xFFFFFFFF  }
0xad: {  	[dreg:$0x0] =	wrdreg $0x60  }
0xae: {  	[dreg:$0x2] =	wrdreg s24  }
0xaf: {  	[dreg:$0x3] =	wrdreg s2  }
0xb0: {  	[dreg:$0x4] =	wrdreg $0x9  }
0xb1: {  	_ =	task.clear_ibuf [dreg:s7], $0x5FFFF;
	_ =	strace $0x90000046  }
0xb2: {  	s29 =	simm.s32 $0x9;
	_ =	strace $0x80000048  }
0xb3: {  	_ =	swait.ge [sflag:s29], $0x1  }
0xb4: {  	[sflag:s29] =	ssyncadd.s32 $0xFFFFFFFF  }
0xb5: {  	_ =	strace $0x90000048  }
0xb6: {  	_ =	sfence  }
0xb7: {  	s30 =	sld [smem:$0x0];
	_ =	sdelay $0x2  }
0xb8: {  	s31 =	sshll.u32 s1, $0xD;
	s1 =	sshrl.u32 s1, $0x2  }
0xb9: {  	s3 =	sand.u32 $0x4000, s31;
	s1 =	sadd.s32 s1, s30  }
0xba: {  	s0 =	sor.u32 s3, s0;
	s1 =	sshll.u32 s1, $0x11  }
0xbb: {  	s0 =	sor.u32 s1, s0  }
0xbc: {  	s0 =	sadd.s32 $0x8F2B, s0  }
0xbd: {  	[sflag:s0] =	ssyncadd.remote.s32 $0x1  }
0xbe: {  	_ =	sfence.sel $0xFFFF  }
0xbf: {  	[dreg:$0x0] =	wrdreg $0xFFFFFFFF;
	(pc) =	sbr.abs _section_cstart, $3  }
0xc0: {  	[dreg:$0x1] =	wrdreg $0xFFFFFFFF  }
0xc1: {  	_ =	task.clear_ibuf [dreg:s7], $0x2FFFF;
	_ =	strace $0x9FFFFFFF  }
0xc2: {  	(tm) =	ssettm $0x7FFFFFFF  }
0xc3: {  	_ =	shalt  }
tec
execute0_lowered:
.L_overlay_start_1:
0x0: {  	(tag) =	ssettag $0x1  }
0x1: {  	s14 =	rddreg [dreg:$0x0]  }
0x2: {  	s3 =	rddreg [dreg:$0x1];
	s1 =	srdreg.scid  }
0x3: {  	s0 =	rddreg [dreg:$0x2];
	s19 =	sand.u32 $0x1, s1  }
0x4: {  	s2 =	simm.s32 $0x0;
	s1 =	stileid.u32;
	s4 =	sshll.u32 s19, $0x6  }
0x5: {  	[smem:$0x7FF] =	sst s2;
	s5 =	sshll.u32 s1, $0x7;
	s3 =	sadd.s32 s3, s4  }
0x6: {  	_ =	strace $0x80000047;
	s4 =	simm.s32 $0x3;
	s3 =	sadd.s32 s5, s3  }
0x7: {  	[tilespmem:s2], [sflag:$0x3] =	stream.linear.gather [hbm4b:s3+s2], $0x200, $0x38;
	[tilespmem:$0x10200] =	vst v63  }
0x8: {  	_ =	swait.ge [sflag:s4], $0x200  }
0x9: {  	s6 =	simm.s32 $0x80;
	[sflag:s4] =	ssyncset.done $0x0  }
0xa: {  	s7 =	simm.s32 $0x200;
	s5 =	sadd.s32 $0x81E00, s14;
	[sflag:s4] =	ssyncadd.s32 $0xFFFFFE00  }
0xb: {  	[tilespmem:s7], [sflag:$0x1] =	stream.indirect.gather [hbm4b:s5+s6], $0x80, s2, s6, $0xb8;
	[tilespmem:$0x10200] =	vst v63  }
0xc: {  	s8 =	simm.s32 $0x4200;
	s9 =	simm.s32 $0x100  }
0xd: {  	[tilespmem:s8], [sflag:$0x1] =	stream.indirect.gather [hbm4b:s5+s6], $0x80, s6, s6, $0xb8;
	[tilespmem:$0x10200] =	vst v63  }
0xe: {  	s10 =	simm.s32 $0x8200;
	s11 =	simm.s32 $0x180;
	s12 =	simm.s32 $0xC200  }
0xf: {  	[tilespmem:s10], [sflag:$0x1] =	stream.indirect.gather [hbm4b:s5+s6], $0x80, s9, s6, $0xb8;
	[tilespmem:$0x10200] =	vst v63  }
0x10: {  	s13 =	simm.s32 $0x1;
	s15 =	sshll.u32 s1, $0xE;
	s16 =	sshll.u32 s19, $0xD  }
0x11: {  	[tilespmem:s12], [sflag:$0x1] =	stream.indirect.gather [hbm4b:s5+s6], $0x80, s11, s6, $0xb8;
	[tilespmem:$0x10200] =	vst v63  }
0x12: {  	s15 =	sor.u32 s16, s15;
	_ =	swait.ge [sflag:s13], $0x4000  }
0x13: {  	s17 =	sadd.s32 s15, s14;
	[sflag:s13] =	ssyncset.done $0x0  }
0x14: {  	s14 =	sadd.s32 $0x1E00, s17;
	[sflag:s13] =	ssyncadd.s32 $0xFFFFC000  }
0x15: {  	[hbm4b:s14+s2] =	stream.linear.scatter [tilespmem:s7], [sflag:$0x2], $0x4000, $0x38;
	[tilespmem:$0x10200] =	vst v63  }
0x16: {  	_ =	swait.ge [sflag:s13], $0x4000  }
0x17: {  	[sflag:s13] =	ssyncset.done $0x0  }
0x18: {  	s15 =	sadd.s32 $0x2600, s17;
	[sflag:s13] =	ssyncadd.s32 $0xFFFFC000  }
0x19: {  	[hbm4b:s15+s2] =	stream.linear.scatter [tilespmem:s8], [sflag:$0x2], $0x4000, $0x38;
	[tilespmem:$0x10200] =	vst v63  }
0x1a: {  	_ =	swait.ge [sflag:s13], $0x4000  }
0x1b: {  	[sflag:s13] =	ssyncset.done $0x0  }
0x1c: {  	s16 =	sadd.s32 $0x2E00, s17;
	[sflag:s13] =	ssyncadd.s32 $0xFFFFC000  }
0x1d: {  	[hbm4b:s16+s2] =	stream.linear.scatter [tilespmem:s10], [sflag:$0x2], $0x4000, $0x38;
	[tilespmem:$0x10200] =	vst v63  }
0x1e: {  	_ =	swait.ge [sflag:s13], $0x4000  }
0x1f: {  	[sflag:s13] =	ssyncset.done $0x0  }
0x20: {  	s18 =	sadd.s32 $0x3600, s17;
	s17 =	simm.s32 $0x2;
	[sflag:s13] =	ssyncadd.s32 $0xFFFFC000  }
0x21: {  	[hbm4b:s18+s2] =	stream.linear.scatter [tilespmem:s12], [sflag:$0x2], $0x4000, $0x38;
	[tilespmem:$0x10200] =	vst v63  }
0x22: {  	_ =	swait.ge [sflag:s17], $0x4000  }
0x23: {  	s19 =	ssub.s32 $0x2, s19;
	[sflag:s17] =	ssyncset.done $0x0  }
0x24: {  	s20 =	sshrl.u32 s19, $0x1;
	[sflag:s17] =	ssyncadd.s32 $0xFFFFC000  }
0x25: {  	s19 =	ssub.s32 s19, s20;
	_ =	swait.ge [sflag:s17], $0x4000  }
0x26: {  	s19 =	smax.u32 s19, $0x1;
	[sflag:s17] =	ssyncset.done $0x0  }
0x27: {  	p0 =	sne.s32 s19, $0x1;
	[sflag:s17] =	ssyncadd.s32 $0xFFFFC000  }
.Ltmp0:
0x28: {  	_ =	swait.ge [sflag:s17], $0x4000;
	(pc) =	sbr.rel @!p0 .LBB2_2-.Ltmp0, $4  }
0x29: {  	[sflag:s17] =	ssyncset.done $0x0  }
0x2a: {  	[sflag:s17] =	ssyncadd.s32 $0xFFFFC000  }
0x2b: {  	_ =	swait.ge [sflag:s17], $0x4000  }
0x2c: {  	s19 =	sadd.s32 $0xFFFFFFFF, s19;
	[sflag:s17] =	ssyncset.done $0x0  }
.LBB2_1:
0x2d: {  	p0 =	sne.s32 s19, $0x1;
	s19 =	sadd.s32 $0xFFFFFFFF, s19;
	[sflag:s17] =	ssyncadd.s32 $0xFFFFC000  }
0x2e: {  	[tilespmem:s2], [sflag:$0x3] =	stream.linear.gather [hbm4b:s3+s2], $0x200, $0x38;
	[tilespmem:$0x10200] =	vst v63  }
0x2f: {  	_ =	swait.ge [sflag:s4], $0x200  }
0x30: {  	[sflag:s4] =	ssyncset.done $0x0  }
0x31: {  	[sflag:s4] =	ssyncadd.s32 $0xFFFFFE00  }
0x32: {  	[tilespmem:s7], [sflag:$0x1] =	stream.indirect.gather [hbm4b:s5+s6], $0x80, s2, s6, $0xb8;
	[tilespmem:$0x10200] =	vst v63  }
0x33: {  	_ = 	snop  }
0x34: {  	[tilespmem:s8], [sflag:$0x1] =	stream.indirect.gather [hbm4b:s5+s6], $0x80, s6, s6, $0xb8;
	[tilespmem:$0x10200] =	vst v63  }
0x35: {  	_ = 	snop  }
0x36: {  	[tilespmem:s10], [sflag:$0x1] =	stream.indirect.gather [hbm4b:s5+s6], $0x80, s9, s6, $0xb8;
	[tilespmem:$0x10200] =	vst v63  }
0x37: {  	_ = 	snop  }
0x38: {  	[tilespmem:s12], [sflag:$0x1] =	stream.indirect.gather [hbm4b:s5+s6], $0x80, s11, s6, $0xb8;
	[tilespmem:$0x10200] =	vst v63  }
0x39: {  	_ =	swait.ge [sflag:s13], $0x4000  }
0x3a: {  	[sflag:s13] =	ssyncset.done $0x0  }
0x3b: {  	[sflag:s13] =	ssyncadd.s32 $0xFFFFC000  }
0x3c: {  	[hbm4b:s14+s2] =	stream.linear.scatter [tilespmem:s7], [sflag:$0x2], $0x4000, $0x38;
	[tilespmem:$0x10200] =	vst v63  }
0x3d: {  	_ =	swait.ge [sflag:s13], $0x4000  }
0x3e: {  	[sflag:s13] =	ssyncset.done $0x0  }
0x3f: {  	[sflag:s13] =	ssyncadd.s32 $0xFFFFC000  }
0x40: {  	[hbm4b:s15+s2] =	stream.linear.scatter [tilespmem:s8], [sflag:$0x2], $0x4000, $0x38;
	[tilespmem:$0x10200] =	vst v63  }
0x41: {  	_ =	swait.ge [sflag:s13], $0x4000  }
0x42: {  	[sflag:s13] =	ssyncset.done $0x0  }
0x43: {  	[sflag:s13] =	ssyncadd.s32 $0xFFFFC000  }
0x44: {  	[hbm4b:s16+s2] =	stream.linear.scatter [tilespmem:s10], [sflag:$0x2], $0x4000, $0x38;
	[tilespmem:$0x10200] =	vst v63  }
0x45: {  	_ =	swait.ge [sflag:s13], $0x4000  }
0x46: {  	[sflag:s13] =	ssyncset.done $0x0  }
0x47: {  	[sflag:s13] =	ssyncadd.s32 $0xFFFFC000  }
0x48: {  	[hbm4b:s18+s2] =	stream.linear.scatter [tilespmem:s12], [sflag:$0x2], $0x4000, $0x38;
	[tilespmem:$0x10200] =	vst v63  }
0x49: {  	_ =	swait.ge [sflag:s17], $0x4000  }
0x4a: {  	[sflag:s17] =	ssyncset.done $0x0  }
0x4b: {  	[sflag:s17] =	ssyncadd.s32 $0xFFFFC000  }
0x4c: {  	_ =	swait.ge [sflag:s17], $0x4000  }
0x4d: {  	[sflag:s17] =	ssyncset.done $0x0  }
0x4e: {  	[sflag:s17] =	ssyncadd.s32 $0xFFFFC000  }
.Ltmp1:
0x4f: {  	_ =	swait.ge [sflag:s17], $0x4000;
	(pc) =	sbr.rel @p0 .LBB2_1-.Ltmp1, $4  }
0x50: {  	[sflag:s17] =	ssyncset.done $0x0  }
0x51: {  	[sflag:s17] =	ssyncadd.s32 $0xFFFFC000  }
0x52: {  	_ =	swait.ge [sflag:s17], $0x4000  }
0x53: {  	[sflag:s17] =	ssyncset.done $0x0  }
.LBB2_2:
0x54: {  	[sflag:s17] =	ssyncadd.s32 $0xFFFFC000  }
0x55: {  	_ =	sfence.sel $0x180000  }
0x56: {  	[bflag:$0x0] =	sbarrier.arrive $0xFFFF  }
0x57: {  	p0 =	sne.s32 s1, $0x0;
	_ =	strace $0x90000047  }
0x58: {  	s0 =	sadd.s32 @!p0 $0x100000, s0;
	[bflag:$0x2] =	sbarrier.arrive $0xFFFF  }
0x59: {  	[sflag:s0] =	ssyncadd.tile.s32 @!p0 $0x1;
	_ =	shalt  }
.Lfunc_end2:
_tile_overlayer_lowered:
.L_overlay_start_2:
0x5a: {  	(tag) =	ssettag $0x2  }
0x5b: {  	s0 =	rddreg [dreg:$0x0];
	s2 =	stileid.u32  }
0x5c: {  	s1 =	rddreg [dreg:$0x1];
	p0 =	sne.s32 s2, $0x0  }
0x5d: {  	s3 =	rddreg [dreg:$0x2];
	[bflag:$0x3] =	sbarrier.arrive $0xFFFF;
	s2 =	simm.s32 @!p0 $0x1C03  }
0x5e: {  	[timem:s3], [sflag:s2] =	dma.local @!p0 [hbm:s0], s1  }
0x5f: {  	s0 =	simm.s32 @!p0 $0x3  }
0x60: {  	_ =	swait.ge @!p0 [sflag:s0], s1  }
0x61: {  	s1 =	ssub.s32 @!p0 $0x0, s1;
	[sflag:s0] =	ssyncset.done @!p0 $0x0  }
0x62: {  	[sflag:s0] =	ssyncadd.s32 @!p0 s1  }
0x63: {  	[bflag:$0x3] =	sbarrier.arrive $0xFFFF  }
0x64: {  	_ =	shalt  }

</sc_bundles>
